<compile_context>
chip_gen: v7x
topology: tpu7x:2x2x1
jax: 0.10.2.dev20260603
libtpu: 0.0.44.dev20260713+nightly
codegen_flags: <defaults>
</compile_context>

<pallas_src>
import functools

import jax
import jax.numpy as jnp
from jax import lax
from jax.experimental import pallas as pl
from jax.experimental.pallas import tpu as pltpu

_BLK = 1024


def _nms_body(bt_ref, brow_ref, ob_ref, os_ref,
              s_ref, keep_ref, kbc_ref, *, blk):
    i = pl.program_id(0)
    j = pl.program_id(1)
    ibase = pl.multiple_of(i * blk, blk)
    jbase = pl.multiple_of(j * blk, blk)

    @pl.when((i == 0) & (j == 0))
    def _():
        keep_ref[...] = jnp.ones_like(keep_ref)

    @pl.when(j == i)
    def _diagonal():
        x1 = brow_ref[:, 0:1]
        y1 = brow_ref[:, 1:2]
        x2 = brow_ref[:, 2:3]
        y2 = brow_ref[:, 3:4]
        ar = brow_ref[:, 4:5]
        cx1 = bt_ref[0:1, pl.ds(ibase, blk)]
        cy1 = bt_ref[1:2, pl.ds(ibase, blk)]
        cx2 = bt_ref[2:3, pl.ds(ibase, blk)]
        cy2 = bt_ref[3:4, pl.ds(ibase, blk)]
        ac = bt_ref[4:5, pl.ds(ibase, blk)]
        iw = jnp.maximum(jnp.minimum(x2, cx2) - jnp.maximum(x1, cx1), 0.0)
        ih = jnp.minimum(y2, cy2) - jnp.maximum(y1, cy1)
        overlap = 3.0 * (iw * ih) > ar + ac
        tri_r = lax.broadcasted_iota(jnp.int32, (blk, blk), 0)
        tri_c = lax.broadcasted_iota(jnp.int32, (blk, blk), 1)
        s_ref[...] = jnp.where((tri_c > tri_r) & overlap, 1.0, 0.0)

        keep0 = keep_ref[:, pl.ds(ibase, blk)]

        def _step(kb):
            cnt = jnp.dot(kb, s_ref[...],
                          preferred_element_type=jnp.float32)
            return keep0 * jnp.where(cnt > 0.5, 0.0, 1.0)

        def _cond(carry):
            return carry[1]

        def _sweep(carry):
            kb, _ = carry
            kb1 = _step(kb)
            kb2 = _step(kb1)
            changed = jnp.sum(jnp.abs(kb2 - kb1)) > 0.0
            return (kb2, changed)

        kb, _ = lax.while_loop(_cond, _sweep, (keep0, True))
        keep_ref[:, pl.ds(ibase, blk)] = kb
        kbc = kb.T
        kbc_ref[...] = kbc

        ob_ref[...] = brow_ref[:, 0:4] * kbc
        os_ref[...] = brow_ref[:, 5:6] * kbc

    @pl.when(j > i)
    def _tail():
        kbc = kbc_ref[...]
        x1 = jnp.where(kbc > 0.0, brow_ref[:, 0:1], 3.0e4)
        y1 = brow_ref[:, 1:2]
        x2 = brow_ref[:, 2:3]
        y2 = brow_ref[:, 3:4]
        ar = brow_ref[:, 4:5]
        cx1 = bt_ref[0:1, pl.ds(jbase, blk)]
        cy1 = bt_ref[1:2, pl.ds(jbase, blk)]
        cx2 = bt_ref[2:3, pl.ds(jbase, blk)]
        cy2 = bt_ref[3:4, pl.ds(jbase, blk)]
        ac = bt_ref[4:5, pl.ds(jbase, blk)]
        iw = jnp.maximum(jnp.minimum(x2, cx2) - jnp.maximum(x1, cx1), 0.0)
        ih = jnp.minimum(y2, cy2) - jnp.maximum(y1, cy1)
        overlap = 3.0 * (iw * ih) > ar + ac
        sup = jnp.any(overlap, axis=0, keepdims=True)
        keep_ref[:, pl.ds(jbase, blk)] = jnp.where(
            sup, 0.0, keep_ref[:, pl.ds(jbase, blk)])


def kernel(boxes, scores):
    n = boxes.shape[0]
    blk = _BLK
    nb = -(-n // blk)
    n_pad = nb * blk

    order = jnp.argsort(-scores)
    b = jnp.take(boxes, order, axis=0)
    s = jnp.take(scores, order, axis=0)
    area = ((b[:, 2] - b[:, 0]) * (b[:, 3] - b[:, 1]))[:, None]
    rows = jnp.concatenate([b, area, s[:, None]], axis=1)
    rows = jnp.concatenate(
        [rows, jnp.zeros((n_pad - n, 6), jnp.float32)], axis=0)
    bt = rows[:, 0:5].T

    ob, os = pl.pallas_call(
        functools.partial(_nms_body, blk=blk),
        grid=(nb, nb),
        in_specs=[
            pl.BlockSpec((5, n_pad), lambda i, j: (0, 0)),
            pl.BlockSpec((blk, 6), lambda i, j: (i, 0)),
        ],
        out_specs=[
            pl.BlockSpec((blk, 4), lambda i, j: (i, 0)),
            pl.BlockSpec((blk, 1), lambda i, j: (i, 0)),
        ],
        out_shape=[
            jax.ShapeDtypeStruct((n_pad, 4), jnp.float32),
            jax.ShapeDtypeStruct((n_pad, 1), jnp.float32),
        ],
        scratch_shapes=[
            pltpu.VMEM((blk, blk), jnp.float32),
            pltpu.VMEM((1, n_pad), jnp.float32),
            pltpu.VMEM((blk, 1), jnp.float32),
        ],
    )(bt, rows)

    return jnp.concatenate([ob, os], axis=1)[:n]

# --- scband reference (transcript-rebuilt; emitter-appended) ---
"""Pipeline reference for scband-forward-deformer-84963043049527 (READ-ONLY COPY).

The authoritative reference and input builder live on the scoring server;
editing this copy changes nothing except your own understanding.
"""

import jax, jax.numpy as jnp
import numpy as np

N = 5000
IOU_THRESHOLD = 0.5


def _pairwise_iou(a, b):
    area_a = (a[:, 2] - a[:, 0]) * (a[:, 3] - a[:, 1])
    area_b = (b[:, 2] - b[:, 0]) * (b[:, 3] - b[:, 1])
    lt = jnp.maximum(a[:, None, :2], b[None, :, :2])
    rb = jnp.minimum(a[:, None, 2:], b[None, :, 2:])
    wh = jnp.clip(rb - lt, 0.0, None)
    inter = wh[..., 0] * wh[..., 1]
    union = area_a[:, None] + area_b[None, :] - inter
    return inter / jnp.maximum(union, 1e-9)


def setup_inputs(seed: int = 0) -> dict:
    key = jax.random.key(seed)
    k1, k2, k3 = jax.random.split(key, 3)
    # boxes: fill=rand, scaled to valid corner format (x1<x2, y1<y2) in a ~1024px canvas
    xy = jax.random.uniform(k1, (N, 2), dtype=jnp.float32) * 960.0
    wh = jax.random.uniform(k2, (N, 2), dtype=jnp.float32) * 64.0 + 1.0
    boxes = jnp.concatenate([xy, xy + wh], axis=1)
    scores = jax.random.uniform(k3, (N,), dtype=jnp.float32)
    return {"boxes": boxes, "scores": scores}


def reference(boxes, scores):
    # Greedy NMS: sort by score desc, compute dense pairwise IoU, iteratively suppress.
    order = jnp.argsort(-scores)
    b = jnp.take(boxes, order, axis=0)
    s = jnp.take(scores, order, axis=0)
    iou = _pairwise_iou(b, b)
    n = b.shape[0]
    idx = jnp.arange(n)

    def body(i, keep):
        row = jax.lax.dynamic_index_in_dim(iou, i, axis=0, keepdims=False)
        ki = jnp.take(keep, i)
        suppress = (row > IOU_THRESHOLD) & ki & (idx > i)
        return keep & (~suppress)

    keep = jax.lax.fori_loop(0, n, body, jnp.ones((n,), dtype=bool))
    keep_f = keep.astype(b.dtype)
    # output: [N, 5] = surviving (score-sorted) boxes and scores, suppressed entries zeroed
    out = jnp.concatenate([b * keep_f[:, None], (s * keep_f)[:, None]], axis=1)
    return out

if __name__ == "__main__":
    import jax
    _d = setup_inputs()
    print(jax.jit(kernel)(*tuple(_d.values())))

</pallas_src>

<mosaic_0001>
module attributes {stable_mosaic.version = 14 : i64} {
  func.func @_nms_body(%arg0: i32, %arg1: i32, %arg2: memref<5x5120xf32, #tpu.memory_space<vmem>>, %arg3: memref<1024x6xf32, #tpu.memory_space<vmem>>, %arg4: memref<1024x4xf32, #tpu.memory_space<vmem>>, %arg5: memref<1024x1xf32, #tpu.memory_space<vmem>>, %arg6: memref<1024x1024xf32, #tpu.memory_space<vmem>>, %arg7: memref<1x5120xf32, #tpu.memory_space<vmem>>, %arg8: memref<1024x1xf32, #tpu.memory_space<vmem>>) attributes {dimension_semantics = [#tpu.dimension_semantics<arbitrary>, #tpu.dimension_semantics<arbitrary>], iteration_bounds = array<i64: 5, 5>, scalar_prefetch = 0 : i64, scratch_operands = 3 : i64, tpu.core_type = #tpu.core_type<tc>, window_params = [{pipeline_mode = #tpu.pipeline_mode<synchronous>, transform_indices = @transform_0, window_bounds = array<i64: 5, 5120>}, {transform_indices = @transform_1, window_bounds = array<i64: 1024, 6>}, {transform_indices = @transform_2, window_bounds = array<i64: 1024, 4>}, {transform_indices = @transform_3, window_bounds = array<i64: 1024, 1>}]} {
    %mul3A = arith.constant 1024 : i32
    %mul3A_0 = arith.muli %arg0, %mul3A : i32
    %multiple_of3A = tpu.assume_multiple %mul3A_0, 1024 : i32
    %mul3A_1 = arith.constant 1024 : i32
    %mul3A_2 = arith.muli %arg1, %mul3A_1 : i32
    %multiple_of3A_3 = tpu.assume_multiple %mul3A_2, 1024 : i32
    %eq3A = arith.constant 0 : i32
    %eq3A_4 = arith.cmpi eq, %arg0, %eq3A : i32
    %eq3A_5 = arith.constant 0 : i32
    %eq3A_6 = arith.cmpi eq, %arg1, %eq3A_5 : i32
    %and3A = arith.andi %eq3A_4, %eq3A_6 : i1
    %convert_element_type3A = arith.extui %and3A : i1 to i32
    %cond3A = arith.constant 0 : i32
    %cond3A_7 = arith.cmpi ne, %convert_element_type3A, %cond3A : i32
    scf.if %cond3A_7 {
      %broadcast_in_dim3A = arith.constant 1.000000e+00 : f32
      %broadcast_in_dim3A_15 = vector.broadcast %broadcast_in_dim3A : f32 to vector<1x5120xf32>
      %swap3A = arith.constant 0 : index
      %swap3A_16 = arith.constant 0 : index
      %swap3A_17 = vector.load %arg7[%swap3A, %swap3A_16] : memref<1x5120xf32, #tpu.memory_space<vmem>>, vector<1x5120xf32>
      tpu.vector_store %arg7[%swap3A, %swap3A_16], %broadcast_in_dim3A_15 {strides = array<i32>} : memref<1x5120xf32, #tpu.memory_space<vmem>>, vector<1x5120xf32>,
    } else {
    }
    %eq3A_8 = arith.cmpi eq, %arg1, %arg0 : i32
    %convert_element_type3A_9 = arith.extui %eq3A_8 : i1 to i32
    %cond3A_10 = arith.constant 0 : i32
    %cond3A_11 = arith.cmpi ne, %convert_element_type3A_9, %cond3A_10 : i32
    scf.if %cond3A_11 {
      %get3A = arith.constant 0 : index
      %get3A_15 = arith.constant 0 : index
      %get3A_16 = vector.load %arg3[%get3A, %get3A_15] : memref<1024x6xf32, #tpu.memory_space<vmem>>, vector<1024x1xf32>
      %get3A_17 = arith.constant 0 : index
      %get3A_18 = arith.constant 1 : index
      %get3A_19 = vector.load %arg3[%get3A_17, %get3A_18] : memref<1024x6xf32, #tpu.memory_space<vmem>>, vector<1024x1xf32>
      %get3A_20 = arith.constant 0 : index
      %get3A_21 = arith.constant 2 : index
      %get3A_22 = vector.load %arg3[%get3A_20, %get3A_21] : memref<1024x6xf32, #tpu.memory_space<vmem>>, vector<1024x1xf32>
      %get3A_23 = arith.constant 0 : index
      %get3A_24 = arith.constant 3 : index
      %get3A_25 = vector.load %arg3[%get3A_23, %get3A_24] : memref<1024x6xf32, #tpu.memory_space<vmem>>, vector<1024x1xf32>
      %get3A_26 = arith.constant 0 : index
      %get3A_27 = arith.constant 4 : index
      %get3A_28 = vector.load %arg3[%get3A_26, %get3A_27] : memref<1024x6xf32, #tpu.memory_space<vmem>>, vector<1024x1xf32>
      %get3A_29 = arith.constant 0 : index
      %get3A_30 = arith.index_cast %multiple_of3A : i32 to index
      %get3A_31 = vector.load %arg2[%get3A_29, %get3A_30] : memref<5x5120xf32, #tpu.memory_space<vmem>>, vector<1x1024xf32>
      %get3A_32 = arith.constant 1 : index
      %get3A_33 = arith.index_cast %multiple_of3A : i32 to index
      %get3A_34 = vector.load %arg2[%get3A_32, %get3A_33] : memref<5x5120xf32, #tpu.memory_space<vmem>>, vector<1x1024xf32>
      %get3A_35 = arith.constant 2 : index
      %get3A_36 = arith.index_cast %multiple_of3A : i32 to index
      %get3A_37 = vector.load %arg2[%get3A_35, %get3A_36] : memref<5x5120xf32, #tpu.memory_space<vmem>>, vector<1x1024xf32>
      %get3A_38 = arith.constant 3 : index
      %get3A_39 = arith.index_cast %multiple_of3A : i32 to index
      %get3A_40 = vector.load %arg2[%get3A_38, %get3A_39] : memref<5x5120xf32, #tpu.memory_space<vmem>>, vector<1x1024xf32>
      %get3A_41 = arith.constant 4 : index
      %get3A_42 = arith.index_cast %multiple_of3A : i32 to index
      %get3A_43 = vector.load %arg2[%get3A_41, %get3A_42] : memref<5x5120xf32, #tpu.memory_space<vmem>>, vector<1x1024xf32>
      %min3A = vector.broadcast %get3A_22 : vector<1024x1xf32> to vector<1024x1024xf32>
      %min3A_44 = vector.broadcast %get3A_37 : vector<1x1024xf32> to vector<1024x1024xf32>
      %min3A_45 = arith.minimumf %min3A, %min3A_44 : vector<1024x1024xf32>
      %max3A = vector.broadcast %get3A_16 : vector<1024x1xf32> to vector<1024x1024xf32>
      %max3A_46 = vector.broadcast %get3A_31 : vector<1x1024xf32> to vector<1024x1024xf32>
      %max3A_47 = arith.maximumf %max3A, %max3A_46 : vector<1024x1024xf32>
      %sub3A = arith.subf %min3A_45, %max3A_47 : vector<1024x1024xf32>
      %max3A_48 = arith.constant 0.000000e+00 : f32
      %max3A_49 = vector.broadcast %max3A_48 : f32 to vector<1024x1024xf32>
      %max3A_50 = arith.maximumf %sub3A, %max3A_49 : vector<1024x1024xf32>
      %min3A_51 = vector.broadcast %get3A_25 : vector<1024x1xf32> to vector<1024x1024xf32>
      %min3A_52 = vector.broadcast %get3A_40 : vector<1x1024xf32> to vector<1024x1024xf32>
      %min3A_53 = arith.minimumf %min3A_51, %min3A_52 : vector<1024x1024xf32>
      %max3A_54 = vector.broadcast %get3A_19 : vector<1024x1xf32> to vector<1024x1024xf32>
      %max3A_55 = vector.broadcast %get3A_34 : vector<1x1024xf32> to vector<1024x1024xf32>
      %max3A_56 = arith.maximumf %max3A_54, %max3A_55 : vector<1024x1024xf32>
      %sub3A_57 = arith.subf %min3A_53, %max3A_56 : vector<1024x1024xf32>
      %mul3A_58 = arith.mulf %max3A_50, %sub3A_57 : vector<1024x1024xf32>
      %mul3A_59 = arith.constant 3.000000e+00 : f32
      %mul3A_60 = vector.broadcast %mul3A_59 : f32 to vector<1024x1024xf32>
      %mul3A_61 = arith.mulf %mul3A_60, %mul3A_58 : vector<1024x1024xf32>
      %add3A = vector.broadcast %get3A_28 : vector<1024x1xf32> to vector<1024x1024xf32>
      %add3A_62 = vector.broadcast %get3A_43 : vector<1x1024xf32> to vector<1024x1024xf32>
      %add3A_63 = arith.addf %add3A, %add3A_62 : vector<1024x1024xf32>
      %gt3A_64 = arith.cmpf ogt, %mul3A_61, %add3A_63 : vector<1024x1024xf32>
      %iota3A = tpu.iota {dimensions = array<i32: 0>} : vector<1024x1024xi32>
      %iota3A_65 = tpu.iota {dimensions = array<i32: 1>} : vector<1024x1024xi32>
      %gt3A_66 = arith.cmpi sgt, %iota3A_65, %iota3A : vector<1024x1024xi32>
      %and3A_67 = arith.andi %gt3A_66, %gt3A_64 : vector<1024x1024xi1>
      %jit3A = arith.constant 1.000000e+00 : f32
      %jit3A_68 = arith.constant 0.000000e+00 : f32
      %broadcast_in_dim3A = vector.broadcast %jit3A : f32 to vector<1024x1024xf32>
      %broadcast_in_dim3A_69 = vector.broadcast %jit3A_68 : f32 to vector<1024x1024xf32>
      %select_n3A = arith.select %and3A_67, %broadcast_in_dim3A, %broadcast_in_dim3A_69 : vector<1024x1024xi1>, vector<1024x1024xf32>
      %swap3A = arith.constant 0 : index
      %swap3A_70 = arith.constant 0 : index
      %swap3A_71 = vector.load %arg6[%swap3A, %swap3A_70] : memref<1024x1024xf32, #tpu.memory_space<vmem>>, vector<1024x1024xf32>
      tpu.vector_store %arg6[%swap3A, %swap3A_70], %select_n3A {strides = array<i32>} : memref<1024x1024xf32, #tpu.memory_space<vmem>>, vector<1024x1024xf32>,
      %get3A_72 = arith.constant 0 : index
      %get3A_73 = arith.index_cast %multiple_of3A : i32 to index
      %get3A_74 = vector.load %arg7[%get3A_72, %get3A_73] : memref<1x5120xf32, #tpu.memory_space<vmem>>, vector<1x1024xf32>
      %while3A = arith.constant true
      %while3A_75:2 = scf.while (%while3A_97 = %get3A_74, %while3A_98 = %while3A) : (vector<1x1024xf32>, i1) -> (vector<1x1024xf32>, i1) {
        scf.condition(%while3A_98) %while3A_97, %while3A_98 : vector<1x1024xf32>, i1
      } do {
      ^bb0(%while3A_97: vector<1x1024xf32>, %while3A_98: i1):
        %get3A_99 = arith.constant 0 : index
        %get3A_100 = arith.constant 0 : index
        %get3A_101 = vector.load %arg6[%get3A_99, %get3A_100] : memref<1024x1024xf32, #tpu.memory_space<vmem>>, vector<1024x1024xf32>
        %dot_general3A = arith.constant dense<0.000000e+00> : vector<1x1024xf32>
        %dot_general3A_102 = tpu.matmul %while3A_97, %get3A_101, %dot_general3A {dimension_numbers = #tpu.dot_dimension_numbers<[1], [0], [0], [1], [0, 0, 1, 1], [], []>, transpose_lhs_hint = false} : vector<1x1024xf32>, vector<1024x1024xf32>, vector<1x1024xf32> -> vector<1x1024xf32>
        %gt3A_103 = arith.constant 5.000000e-01 : f32
        %gt3A_104 = vector.broadcast %gt3A_103 : f32 to vector<1x1024xf32>
        %gt3A_105 = arith.cmpf ogt, %dot_general3A_102, %gt3A_104 : vector<1x1024xf32>
        %jit3A_106 = arith.constant 0.000000e+00 : f32
        %jit3A_107 = arith.constant 1.000000e+00 : f32
        %broadcast_in_dim3A_108 = vector.broadcast %jit3A_106 : f32 to vector<1x1024xf32>
        %broadcast_in_dim3A_109 = vector.broadcast %jit3A_107 : f32 to vector<1x1024xf32>
        %select_n3A_110 = arith.select %gt3A_105, %broadcast_in_dim3A_108, %broadcast_in_dim3A_109 : vector<1x1024xi1>, vector<1x1024xf32>
        %mul3A_111 = arith.mulf %get3A_74, %select_n3A_110 : vector<1x1024xf32>
        %get3A_112 = arith.constant 0 : index
        %get3A_113 = arith.constant 0 : index
        %get3A_114 = vector.load %arg6[%get3A_112, %get3A_113] : memref<1024x1024xf32, #tpu.memory_space<vmem>>, vector<1024x1024xf32>
        %dot_general3A_115 = arith.constant dense<0.000000e+00> : vector<1x1024xf32>
        %dot_general3A_116 = tpu.matmul %mul3A_111, %get3A_114, %dot_general3A_115 {dimension_numbers = #tpu.dot_dimension_numbers<[1], [0], [0], [1], [0, 0, 1, 1], [], []>, transpose_lhs_hint = false} : vector<1x1024xf32>, vector<1024x1024xf32>, vector<1x1024xf32> -> vector<1x1024xf32>
        %gt3A_117 = arith.constant 5.000000e-01 : f32
        %gt3A_118 = vector.broadcast %gt3A_117 : f32 to vector<1x1024xf32>
        %gt3A_119 = arith.cmpf ogt, %dot_general3A_116, %gt3A_118 : vector<1x1024xf32>
        %jit3A_120 = arith.constant 0.000000e+00 : f32
        %jit3A_121 = arith.constant 1.000000e+00 : f32
        %broadcast_in_dim3A_122 = vector.broadcast %jit3A_120 : f32 to vector<1x1024xf32>
        %broadcast_in_dim3A_123 = vector.broadcast %jit3A_121 : f32 to vector<1x1024xf32>
        %select_n3A_124 = arith.select %gt3A_119, %broadcast_in_dim3A_122, %broadcast_in_dim3A_123 : vector<1x1024xi1>, vector<1x1024xf32>
        %mul3A_125 = arith.mulf %get3A_74, %select_n3A_124 : vector<1x1024xf32>
        %sub3A_126 = arith.subf %mul3A_125, %mul3A_111 : vector<1x1024xf32>
        %abs3A = math.absf %sub3A_126 : vector<1x1024xf32>
        %reduce_sum3A = vector.shape_cast %abs3A : vector<1x1024xf32> to vector<1x1x1024xf32>
        %reduce_sum3A_127 = arith.constant dense<0.000000e+00> : vector<1xf32>
        %reduce_sum3A_128 = vector.multi_reduction <add>, %reduce_sum3A, %reduce_sum3A_127 [1, 2] : vector<1x1x1024xf32> to vector<1xf32>
        %reduce_sum3A_129 = vector.shape_cast %reduce_sum3A_128 : vector<1xf32> to vector<1x1x1xf32>
        %reduce_sum3A_130 = vector.extract %reduce_sum3A_129[0, 0, 0] : f32 from vector<1x1x1xf32>
        %gt3A_131 = arith.constant 0.000000e+00 : f32
        %gt3A_132 = arith.cmpf ogt, %reduce_sum3A_130, %gt3A_131 : f32
        scf.yield %mul3A_125, %gt3A_132 : vector<1x1024xf32>, i1
      }
      %swap3A_76 = arith.constant 0 : index
      %swap3A_77 = arith.index_cast %multiple_of3A : i32 to index
      %swap3A_78 = vector.load %arg7[%swap3A_76, %swap3A_77] : memref<1x5120xf32, #tpu.memory_space<vmem>>, vector<1x1024xf32>
      tpu.vector_store %arg7[%swap3A_76, %swap3A_77], %while3A_75#0 {strides = array<i32>} : memref<1x5120xf32, #tpu.memory_space<vmem>>, vector<1x1024xf32>,
      %transpose3A = tpu.transpose %while3A_75#0, [1, 0] : vector<1x1024xf32> -> vector<1024x1xf32>
      %swap3A_79 = arith.constant 0 : index
      %swap3A_80 = arith.constant 0 : index
      %swap3A_81 = vector.load %arg8[%swap3A_79, %swap3A_80] : memref<1024x1xf32, #tpu.memory_space<vmem>>, vector<1024x1xf32>
      tpu.vector_store %arg8[%swap3A_79, %swap3A_80], %transpose3A {strides = array<i32>} : memref<1024x1xf32, #tpu.memory_space<vmem>>, vector<1024x1xf32>,
      %get3A_82 = arith.constant 0 : index
      %get3A_83 = arith.constant 0 : index
      %get3A_84 = vector.load %arg3[%get3A_82, %get3A_83] : memref<1024x6xf32, #tpu.memory_space<vmem>>, vector<1024x4xf32>
      %mul3A_85 = vector.broadcast %transpose3A : vector<1024x1xf32> to vector<1024x4xf32>
      %mul3A_86 = arith.mulf %get3A_84, %mul3A_85 : vector<1024x4xf32>
      %swap3A_87 = arith.constant 0 : index
      %swap3A_88 = arith.constant 0 : index
      %swap3A_89 = vector.load %arg4[%swap3A_87, %swap3A_88] : memref<1024x4xf32, #tpu.memory_space<vmem>>, vector<1024x4xf32>
      tpu.vector_store %arg4[%swap3A_87, %swap3A_88], %mul3A_86 {strides = array<i32>} : memref<1024x4xf32, #tpu.memory_space<vmem>>, vector<1024x4xf32>,
      %get3A_90 = arith.constant 0 : index
      %get3A_91 = arith.constant 5 : index
      %get3A_92 = vector.load %arg3[%get3A_90, %get3A_91] : memref<1024x6xf32, #tpu.memory_space<vmem>>, vector<1024x1xf32>
      %mul3A_93 = arith.mulf %get3A_92, %transpose3A : vector<1024x1xf32>
      %swap3A_94 = arith.constant 0 : index
      %swap3A_95 = arith.constant 0 : index
      %swap3A_96 = vector.load %arg5[%swap3A_94, %swap3A_95] : memref<1024x1xf32, #tpu.memory_space<vmem>>, vector<1024x1xf32>
      tpu.vector_store %arg5[%swap3A_94, %swap3A_95], %mul3A_93 {strides = array<i32>} : memref<1024x1xf32, #tpu.memory_space<vmem>>, vector<1024x1xf32>,
    } else {
    }
    %gt3A = arith.cmpi sgt, %arg1, %arg0 : i32
    %convert_element_type3A_12 = arith.extui %gt3A : i1 to i32
    %cond3A_13 = arith.constant 0 : i32
    %cond3A_14 = arith.cmpi ne, %convert_element_type3A_12, %cond3A_13 : i32
    scf.if %cond3A_14 {
      %get3A = arith.constant 0 : index
      %get3A_15 = arith.constant 0 : index
      %get3A_16 = vector.load %arg8[%get3A, %get3A_15] : memref<1024x1xf32, #tpu.memory_space<vmem>>, vector<1024x1xf32>
      %gt3A_17 = arith.constant 0.000000e+00 : f32
      %gt3A_18 = vector.broadcast %gt3A_17 : f32 to vector<1024x1xf32>
      %gt3A_19 = arith.cmpf ogt, %get3A_16, %gt3A_18 : vector<1024x1xf32>
      %get3A_20 = arith.constant 0 : index
      %get3A_21 = arith.constant 0 : index
      %get3A_22 = vector.load %arg3[%get3A_20, %get3A_21] : memref<1024x6xf32, #tpu.memory_space<vmem>>, vector<1024x1xf32>
      %jit3A = arith.constant 3.000000e+04 : f32
      %broadcast_in_dim3A = vector.broadcast %jit3A : f32 to vector<1024x1xf32>
      %select_n3A = arith.select %gt3A_19, %get3A_22, %broadcast_in_dim3A : vector<1024x1xi1>, vector<1024x1xf32>
      %get3A_23 = arith.constant 0 : index
      %get3A_24 = arith.constant 1 : index
      %get3A_25 = vector.load %arg3[%get3A_23, %get3A_24] : memref<1024x6xf32, #tpu.memory_space<vmem>>, vector<1024x1xf32>
      %get3A_26 = arith.constant 0 : index
      %get3A_27 = arith.constant 2 : index
      %get3A_28 = vector.load %arg3[%get3A_26, %get3A_27] : memref<1024x6xf32, #tpu.memory_space<vmem>>, vector<1024x1xf32>
      %get3A_29 = arith.constant 0 : index
      %get3A_30 = arith.constant 3 : index
      %get3A_31 = vector.load %arg3[%get3A_29, %get3A_30] : memref<1024x6xf32, #tpu.memory_space<vmem>>, vector<1024x1xf32>
      %get3A_32 = arith.constant 0 : index
      %get3A_33 = arith.constant 4 : index
      %get3A_34 = vector.load %arg3[%get3A_32, %get3A_33] : memref<1024x6xf32, #tpu.memory_space<vmem>>, vector<1024x1xf32>
      %get3A_35 = arith.constant 0 : index
      %get3A_36 = arith.index_cast %multiple_of3A_3 : i32 to index
      %get3A_37 = vector.load %arg2[%get3A_35, %get3A_36] : memref<5x5120xf32, #tpu.memory_space<vmem>>, vector<1x1024xf32>
      %get3A_38 = arith.constant 1 : index
      %get3A_39 = arith.index_cast %multiple_of3A_3 : i32 to index
      %get3A_40 = vector.load %arg2[%get3A_38, %get3A_39] : memref<5x5120xf32, #tpu.memory_space<vmem>>, vector<1x1024xf32>
      %get3A_41 = arith.constant 2 : index
      %get3A_42 = arith.index_cast %multiple_of3A_3 : i32 to index
      %get3A_43 = vector.load %arg2[%get3A_41, %get3A_42] : memref<5x5120xf32, #tpu.memory_space<vmem>>, vector<1x1024xf32>
      %get3A_44 = arith.constant 3 : index
      %get3A_45 = arith.index_cast %multiple_of3A_3 : i32 to index
      %get3A_46 = vector.load %arg2[%get3A_44, %get3A_45] : memref<5x5120xf32, #tpu.memory_space<vmem>>, vector<1x1024xf32>
      %get3A_47 = arith.constant 4 : index
      %get3A_48 = arith.index_cast %multiple_of3A_3 : i32 to index
      %get3A_49 = vector.load %arg2[%get3A_47, %get3A_48] : memref<5x5120xf32, #tpu.memory_space<vmem>>, vector<1x1024xf32>
      %min3A = vector.broadcast %get3A_28 : vector<1024x1xf32> to vector<1024x1024xf32>
      %min3A_50 = vector.broadcast %get3A_43 : vector<1x1024xf32> to vector<1024x1024xf32>
      %min3A_51 = arith.minimumf %min3A, %min3A_50 : vector<1024x1024xf32>
      %max3A = vector.broadcast %select_n3A : vector<1024x1xf32> to vector<1024x1024xf32>
      %max3A_52 = vector.broadcast %get3A_37 : vector<1x1024xf32> to vector<1024x1024xf32>
      %max3A_53 = arith.maximumf %max3A, %max3A_52 : vector<1024x1024xf32>
      %sub3A = arith.subf %min3A_51, %max3A_53 : vector<1024x1024xf32>
      %max3A_54 = arith.constant 0.000000e+00 : f32
      %max3A_55 = vector.broadcast %max3A_54 : f32 to vector<1024x1024xf32>
      %max3A_56 = arith.maximumf %sub3A, %max3A_55 : vector<1024x1024xf32>
      %min3A_57 = vector.broadcast %get3A_31 : vector<1024x1xf32> to vector<1024x1024xf32>
      %min3A_58 = vector.broadcast %get3A_46 : vector<1x1024xf32> to vector<1024x1024xf32>
      %min3A_59 = arith.minimumf %min3A_57, %min3A_58 : vector<1024x1024xf32>
      %max3A_60 = vector.broadcast %get3A_25 : vector<1024x1xf32> to vector<1024x1024xf32>
      %max3A_61 = vector.broadcast %get3A_40 : vector<1x1024xf32> to vector<1024x1024xf32>
      %max3A_62 = arith.maximumf %max3A_60, %max3A_61 : vector<1024x1024xf32>
      %sub3A_63 = arith.subf %min3A_59, %max3A_62 : vector<1024x1024xf32>
      %mul3A_64 = arith.mulf %max3A_56, %sub3A_63 : vector<1024x1024xf32>
      %mul3A_65 = arith.constant 3.000000e+00 : f32
      %mul3A_66 = vector.broadcast %mul3A_65 : f32 to vector<1024x1024xf32>
      %mul3A_67 = arith.mulf %mul3A_66, %mul3A_64 : vector<1024x1024xf32>
      %add3A = vector.broadcast %get3A_34 : vector<1024x1xf32> to vector<1024x1024xf32>
      %add3A_68 = vector.broadcast %get3A_49 : vector<1x1024xf32> to vector<1024x1024xf32>
      %add3A_69 = arith.addf %add3A, %add3A_68 : vector<1024x1024xf32>
      %gt3A_70 = arith.cmpf ogt, %mul3A_67, %add3A_69 : vector<1024x1024xf32>
      %reduce_or3A = arith.constant 1.000000e+00 : f32
      %reduce_or3A_71 = arith.constant 0.000000e+00 : f32
      %reduce_or3A_72 = vector.broadcast %reduce_or3A : f32 to vector<1024x1024xf32>
      %reduce_or3A_73 = vector.broadcast %reduce_or3A_71 : f32 to vector<1024x1024xf32>
      %reduce_or3A_74 = arith.select %gt3A_70, %reduce_or3A_72, %reduce_or3A_73 : vector<1024x1024xi1>, vector<1024x1024xf32>
      %reduce_or3A_75 = arith.constant dense<0xFF800000> : vector<1024xf32>
      %reduce_or3A_76 = vector.multi_reduction <maximumf>, %reduce_or3A_74, %reduce_or3A_75 [0] : vector<1024x1024xf32> to vector<1024xf32>
      %reduce_or3A_77 = arith.constant 0.000000e+00 : f32
      %reduce_or3A_78 = vector.broadcast %reduce_or3A_77 : f32 to vector<1024xf32>
      %reduce_or3A_79 = arith.cmpf ogt, %reduce_or3A_76, %reduce_or3A_78 : vector<1024xf32>
      %broadcast_in_dim3A_80 = vector.shape_cast %reduce_or3A_79 : vector<1024xi1> to vector<1x1024xi1>
      %get3A_81 = arith.constant 0 : index
      %get3A_82 = arith.index_cast %multiple_of3A_3 : i32 to index
      %get3A_83 = vector.load %arg7[%get3A_81, %get3A_82] : memref<1x5120xf32, #tpu.memory_space<vmem>>, vector<1x1024xf32>
      %jit3A_84 = arith.constant 0.000000e+00 : f32
      %broadcast_in_dim3A_85 = vector.broadcast %jit3A_84 : f32 to vector<1x1024xf32>
      %select_n3A_86 = arith.select %broadcast_in_dim3A_80, %broadcast_in_dim3A_85, %get3A_83 : vector<1x1024xi1>, vector<1x1024xf32>
      %swap3A = arith.constant 0 : index
      %swap3A_87 = arith.index_cast %multiple_of3A_3 : i32 to index
      %swap3A_88 = vector.load %arg7[%swap3A, %swap3A_87] : memref<1x5120xf32, #tpu.memory_space<vmem>>, vector<1x1024xf32>
      tpu.vector_store %arg7[%swap3A, %swap3A_87], %select_n3A_86 {strides = array<i32>} : memref<1x5120xf32, #tpu.memory_space<vmem>>, vector<1x1024xf32>,
    } else {
    }
    return
  }
  func.func @transform_0(%arg0: i32, %arg1: i32) -> (i32, i32) {
    %c0_i32 = arith.constant 0 : i32
    %c0_i32_0 = arith.constant 0 : i32
    %c0_i32_1 = arith.constant 0 : i32
    return %c0_i32, %c0_i32_0 : i32, i32
  }
  func.func @transform_1(%arg0: i32, %arg1: i32) -> (i32, i32) {
    %c0_i32 = arith.constant 0 : i32
    %c0_i32_0 = arith.constant 0 : i32
    return %arg0, %c0_i32 : i32, i32
  }
  func.func @transform_2(%arg0: i32, %arg1: i32) -> (i32, i32) {
    %c0_i32 = arith.constant 0 : i32
    %c0_i32_0 = arith.constant 0 : i32
    return %arg0, %c0_i32 : i32, i32
  }
  func.func @transform_3(%arg0: i32, %arg1: i32) -> (i32, i32) {
    %c0_i32 = arith.constant 0 : i32
    %c0_i32_0 = arith.constant 0 : i32
    return %arg0, %c0_i32 : i32, i32
  }
}

</mosaic_0001>

<sc_bundles>
// kernel: gather_offload_async_start.1
scs
__scs_entry_jumppad:
0x0: {  	(pc) =	sbr.rel $0x88, $3  }
0x1: {  	(tag) =	ssettag $0x0;
	lr =	simm.s32 $0x1  }
0x2: {  	[smem:$0x3F9F] =	sst lr;
	_ =	strace $0xD0000000  }
0x3: {  	_ = 	snop  }
0x4: {  	_ = 	snop  }
0x5: {  	_ = 	snop  }
0x6: {  	_ = 	snop  }
0x7: {  	_ = 	snop  }
__scs_overlays_trampoline_lowered:
0x8: {  	[smem:$0x3FAE] =	sst s0  }
0x9: {  	[smem:$0x3FAF] =	sst s1  }
0xa: {  	[smem:$0x3FB0] =	sst s2  }
0xb: {  	[smem:$0x3FB1] =	sst s3  }
0xc: {  	[smem:$0x3FB2] =	sst s4  }
0xd: {  	[smem:$0x3FB3] =	sst s5  }
0xe: {  	[smem:$0x3FB4] =	sst s6  }
0xf: {  	[smem:$0x3FB5] =	sst s7  }
0x10: {  	[smem:$0x3FB6] =	sst s8  }
0x11: {  	[smem:$0x3FB7] =	sst s9;
	s0 =	simm.s32 @!p0 $0x0  }
0x12: {  	s1 =	sld [smem:$0x3F9D];
	s0 =	simm.s32 @p0 $0x1  }
0x13: {  	[smem:$0x3FB8] =	sst s0;
	s0 =	simm.s32 @!p1 $0x0  }
0x14: {  	s2 =	sld [smem:$0x3F9C];
	s0 =	simm.s32 @p1 $0x1  }
0x15: {  	[smem:$0x3FB9] =	sst s0;
	s0 =	simm.s32 @!p2 $0x0  }
0x16: {  	s3 =	sld [smem:$0x3FDB];
	s0 =	simm.s32 @p2 $0x1  }
0x17: {  	s4 =	simm.s32 $0x1BF5;
	[smem:$0x3FBB] =	sst s0  }
0x18: {  	s0 =	sld [smem:$0x3F9E];
	_ =	swait.ge [sflag:s4], $0x0  }
0x19: {  	s7 =	sld [smem:$0x3F9F]  }
0x1a: {  	s8 =	sadd.s32 $0xFFFFE003, lr  }
0x1b: {  	s9 =	sadd.s32 $0xFFFFFEF7, lr;
	s5 =	simm.s32 $0xFFFFFFFF;
	p2 =	slt.u32 s8, $0xFFFFF086  }
0x1c: {  	p1 =	slt.u32 s9, $0xF7A;
	s5 =	simm.s32 @!p2 $0x0  }
0x1d: {  	s5 =	simm.s32 @p1 $0x1;
	p0 =	seq.s32 s7, s2  }
0x1e: {  	s7 =	smul.u32 @!p0 $0xF7A, s2;
	p2 =	seq.s32 @!p0 s5, $0x0  }
0x1f: {  	s9 =	smul.u32 $0xF7A, s1;
	s8 =	simm.s32 @!p0 $0x1BF5;
	p2 =	por !p2, p0  }
0x20: {  	[sflag:s8] =	ssyncset.s32 @!p0 $0xFFFFF086;
	s6 =	sadd.s32 @!p0 s3, s7;
	s7 =	simm.s32 @!p0 $0x108  }
0x21: {  	s3 =	sadd.s32 s3, s9;
	s6 =	sadd.s32 @!p0 $0x88, s6;
	s7 =	simm.s32 @p2 $0x1082  }
0x22: {  	[simem:s7], [sflag:s8] =	dma.local @!p0 [hbm:s6], $0xF7A  }
0x23: {  	s9 =	sor.u32 $0xD0000000, s2;
	s6 =	simm.s32 $0x108;
	_ =	swait.ge @!p0 [sflag:s8], $0x0  }
0x24: {  	s3 =	sadd.s32 $0x88, s3;
	s6 =	simm.s32 @!p1 $0x1082;
	[sflag:s4] =	ssyncset.s32 $0xFFFFF086  }
0x25: {  	[simem:s6], [sflag:s4] =	dma.local [hbm:s3], $0xF7A  }
0x26: {  	[smem:$0x3F9F] =	sst s1;
	(tag) =	ssettag s2;
	_ =	strace s9  }
0x27: {  	s1 =	sld [smem:$0x3FAF]  }
0x28: {  	s2 =	sld [smem:$0x3FB0]  }
0x29: {  	s4 =	sld [smem:$0x3FB2]  }
0x2a: {  	p0 =	seq.s32 s5, $0x0;
	s5 =	sld [smem:$0x3FB3]  }
0x2b: {  	s6 =	sld [smem:$0x3FB4]  }
0x2c: {  	s7 =	sld [smem:$0x3FB5]  }
0x2d: {  	s3 =	simm.s32 $0x108;
	s8 =	sld [smem:$0x3FB6]  }
0x2e: {  	s3 =	simm.s32 @!p0 $0x1082;
	s9 =	sld [smem:$0x3FB7]  }
0x2f: {  	lr =	sadd.s32 s0, s3;
	s0 =	sld [smem:$0x3FAE]  }
0x30: {  	s3 =	sld [smem:$0x3FB1]  }
0x31: {  	[smem:$0x3FBA] =	sst s10  }
0x32: {  	s10 =	sld [smem:$0x3FB8];
	_ =	sdelay $0x3  }
0x33: {  	p0 =	seq.s32 s10, $0x1;
	s10 =	sld [smem:$0x3FBA];
	_ =	sdelay $0x3  }
0x34: {  	[smem:$0x3FBA] =	sst s10  }
0x35: {  	s10 =	sld [smem:$0x3FB9];
	_ =	sdelay $0x3  }
0x36: {  	p1 =	seq.s32 s10, $0x1;
	s10 =	sld [smem:$0x3FBA];
	_ =	sdelay $0x3  }
0x37: {  	[smem:$0x3FBA] =	sst s10  }
0x38: {  	s10 =	sld [smem:$0x3FBB]  }
0x39: {  	_ = 	snop;
	(pc) =	sbr.ind lr, $3  }
0x3a: {  	_ = 	snop  }
0x3b: {  	_ = 	snop  }
0x3c: {  	p2 =	seq.s32 s10, $0x1;
	s10 =	sld [smem:$0x3FBA]  }
0x3d: {  	_ =	shalt  }
0x3e: {  	_ =	shalt  }
0x3f: {  	_ =	shalt  }
0x40: {  	_ =	shalt  }
0x41: {  	_ =	shalt  }
0x42: {  	_ =	shalt  }
0x43: {  	_ =	shalt  }
0x44: {  	_ =	shalt  }
0x45: {  	_ =	shalt  }
0x46: {  	_ =	shalt  }
0x47: {  	_ =	shalt  }
0x48: {  	_ =	shalt  }
0x49: {  	_ =	shalt  }
0x4a: {  	_ =	shalt  }
0x4b: {  	_ =	shalt  }
0x4c: {  	_ =	shalt  }
0x4d: {  	_ =	shalt  }
0x4e: {  	_ =	shalt  }
0x4f: {  	_ =	shalt  }
0x50: {  	_ =	shalt  }
0x51: {  	_ =	shalt  }
0x52: {  	_ =	shalt  }
0x53: {  	_ =	shalt  }
0x54: {  	_ =	shalt  }
0x55: {  	_ =	shalt  }
0x56: {  	_ =	shalt  }
0x57: {  	_ =	shalt  }
0x58: {  	_ =	shalt  }
0x59: {  	_ =	shalt  }
0x5a: {  	_ =	shalt  }
0x5b: {  	_ =	shalt  }
0x5c: {  	_ =	shalt  }
0x5d: {  	_ =	shalt  }
0x5e: {  	_ =	shalt  }
0x5f: {  	_ =	shalt  }
0x60: {  	_ =	shalt  }
0x61: {  	_ =	shalt  }
0x62: {  	_ =	shalt  }
0x63: {  	_ =	shalt  }
0x64: {  	_ =	shalt  }
0x65: {  	_ =	shalt  }
0x66: {  	_ =	shalt  }
0x67: {  	_ =	shalt  }
0x68: {  	_ =	shalt  }
0x69: {  	_ =	shalt  }
0x6a: {  	_ =	shalt  }
0x6b: {  	_ =	shalt  }
0x6c: {  	_ =	shalt  }
0x6d: {  	_ =	shalt  }
0x6e: {  	_ =	shalt  }
0x6f: {  	_ =	shalt  }
0x70: {  	_ =	shalt  }
0x71: {  	_ =	shalt  }
0x72: {  	_ =	shalt  }
0x73: {  	_ =	shalt  }
0x74: {  	_ =	shalt  }
0x75: {  	_ =	shalt  }
0x76: {  	_ =	shalt  }
0x77: {  	_ =	shalt  }
0x78: {  	_ =	shalt  }
0x79: {  	_ =	shalt  }
0x7a: {  	_ =	shalt  }
0x7b: {  	_ =	shalt  }
0x7c: {  	_ =	shalt  }
0x7d: {  	_ =	shalt  }
0x7e: {  	_ =	shalt  }
0x7f: {  	_ =	shalt  }
0x80: {  	_ =	shalt  }
0x81: {  	_ =	shalt  }
0x82: {  	_ =	shalt  }
0x83: {  	_ =	shalt  }
0x84: {  	_ =	shalt  }
0x85: {  	_ =	shalt  }
0x86: {  	_ =	shalt  }
0x87: {  	_ =	shalt  }
.Lfunc_end0:
.L_simem_size_0:
called_computation.1_lowered:
.L_overlay_start_0:
0x88: {  	s0 =	sld [smem:$0x3FD9]  }
0x89: {  	s1 =	sld [smem:$0x3FFE];
	_ =	sdelay $0x3  }
0x8a: {  	s0 =	sadd.s32 s1, s0  }
0x8b: {  	[smem:$0x3FC6] =	sst s0  }
0x8c: {  	_ = 	snop  }
0x8d: {  	s0 =	sld [smem:$0x3FC8]  }
0x8e: {  	s16 =	sld [smem:$0x3FD0];
	(tm) =	ssettm $0x1  }
0x8f: {  	s2 =	sld [smem:$0x3FFB];
	_ =	sdelay $0x3  }
0x90: {  	_ =	strace s2  }
0x91: {  	s2 =	sld [smem:$0x3FFC];
	_ =	sdelay $0x3  }
0x92: {  	_ =	strace s2  }
0x93: {  	s2 =	sld [smem:$0x3FFD];
	_ =	sdelay $0x3  }
0x94: {  	_ =	strace s2  }
0x95: {  	_ =	strace $0x8FFFFFFF  }
0x96: {  	s17 =	sld [smem:$0x3FDB];
	_ =	sdelay $0x1  }
0x97: {  	s3 =	simm.s32 $_scs_section_size  }
0x98: {  	s4 =	simm.s32 $_size__tile_overlayer_lowered;
	s5 =	simm.s32 $_tile_overlayer_lowered  }
0x99: {  	s20 =	simm.s32 $0x1BFF;
	s19 =	sshll.u32 s5, $0x1;
	s2 =	sadd.s32 s3, s17  }
0x9a: {  	s6 =	simm.s32 $0x0;
	s18 =	sshll.u32 s4, $0x1;
	s4 =	sadd.s32 s19, s2  }
0x9b: {  	[timem:s6], [sflag:s20] =	dma.local [hbm:s4], s18  }
0x9c: {  	_ =	swait.ge [sflag:s20], s18  }
0x9d: {  	s3 =	ssub.s32 $0x0, s18;
	[sflag:s20] =	ssyncset.done $0x0  }
0x9e: {  	[sflag:s20] =	ssyncadd.s32 s3;
	_ =	sdelay $0x1  }
0x9f: {  	s21 =	simm.s32 $0x1B8B  }
0xa0: {  	_ =	swait.ge [sflag:s21], $0x1  }
0xa1: {  	[sflag:s21] =	ssyncset.done $0x0  }
0xa2: {  	s23 =	simm.s32 $0x1B8E;
	s22 =	sld [smem:$0x3FFE];
	[sflag:s21] =	ssyncadd.s32 $0xFFFFFFFF  }
0xa3: {  	s24 =	simm.s32 $execute0_lowered;
	[smem:$0x3FD2] =	sst s23  }
0xa4: {  	s4 =	sshll.u32 s24, $0x1;
	_ =	strace $0x80000046;
	[dreg:$0x1] =	wrdreg $0xFFFFFFFF  }
0xa5: {  	s25 =	simm.s32 $_size_execute0_lowered;
	s2 =	sadd.s32 s2, s4;
	[dreg:$0x0] =	wrdreg $0x0  }
0xa6: {  	s4 =	sshll.u32 s25, $0x1;
	[dreg:$0x2] =	wrdreg s2  }
0xa7: {  	[dreg:$0x3] =	wrdreg s4  }
0xa8: {  	[dreg:$0x4] =	wrdreg $0xC0  }
0xa9: {  	_ =	task [dreg:s6], $0x5FFFF  }
0xaa: {  	[dreg:$0x1] =	wrdreg $0xFFFFFFFF  }
0xab: {  	[dreg:$0x0] =	wrdreg $0x60  }
0xac: {  	[dreg:$0x2] =	wrdreg s0  }
0xad: {  	[dreg:$0x3] =	wrdreg s16  }
0xae: {  	[dreg:$0x4] =	wrdreg s22  }
0xaf: {  	[dreg:$0x5] =	wrdreg $0xA  }
0xb0: {  	_ =	task.clear_ibuf [dreg:s6], $0x6FFFF;
	_ =	strace $0x90000046  }
0xb1: {  	s26 =	simm.s32 $0xA;
	_ =	strace $0x80000048  }
0xb2: {  	_ =	swait.ge [sflag:s26], $0x1  }
0xb3: {  	[sflag:s26] =	ssyncadd.s32 $0xFFFFFFFF  }
0xb4: {  	_ =	strace $0x90000048  }
0xb5: {  	_ =	sfence  }
0xb6: {  	s28 =	sld [smem:$0x0];
	_ =	sdelay $0x1  }
0xb7: {  	s29 =	srdreg.scid  }
0xb8: {  	s30 =	sshll.u32 s29, $0xD;
	s31 =	sshrl.u32 s29, $0x2  }
0xb9: {  	s1 =	sand.u32 $0x1, s29;
	s2 =	sand.u32 $0x4000, s30;
	s0 =	sadd.s32 s31, s28  }
0xba: {  	s1 =	sor.u32 s2, s1;
	s0 =	sshll.u32 s0, $0x11  }
0xbb: {  	s0 =	sor.u32 s0, s1  }
0xbc: {  	s0 =	sadd.s32 $0x8F2B, s0  }
0xbd: {  	[sflag:s0] =	ssyncadd.remote.s32 $0x1  }
0xbe: {  	_ =	sfence.sel $0xFFFF  }
0xbf: {  	[dreg:$0x0] =	wrdreg $0xFFFFFFFF;
	(pc) =	sbr.abs _section_cstart, $3  }
0xc0: {  	[dreg:$0x1] =	wrdreg $0xFFFFFFFF  }
0xc1: {  	_ =	task.clear_ibuf [dreg:s6], $0x2FFFF;
	_ =	strace $0x9FFFFFFF  }
0xc2: {  	(tm) =	ssettm $0x7FFFFFFF  }
0xc3: {  	_ =	shalt  }
tec
execute0_lowered:
.L_overlay_start_1:
0x0: {  	(tag) =	ssettag $0x1  }
0x1: {  	s2 =	rddreg [dreg:$0x0]  }
0x2: {  	s3 =	rddreg [dreg:$0x1]  }
0x3: {  	s4 =	rddreg [dreg:$0x2];
	s1 =	stileid.u32  }
0x4: {  	s0 =	rddreg [dreg:$0x3];
	_ =	strace $0x80000047;
	s6 =	simm.s32 $0x1  }
0x5: {  	s8 =	simm.s32 $0x2;
	s30 =	simm.s32 $0x3;
	s5 =	sshll.u32 s1, $0x4  }
0x6: {  	s12 =	simm.s32 $0x0;
	s9 =	simm.s32 $0x0;
	s7 =	ssub.s32 $0x1380, s5  }
0x7: {  	s10 =	simm.s32 $0x0;
	[sflag:s6] =	ssyncpa.u1 $0x0;
	s6 =	sshrl.u32 s7, $0x8  }
0x8: {  	[sflag:s8] =	ssyncpa.u1 $0x0;
	s11 =	smov.u32 s5;
	s31 =	sshll.u32 s6, $0x4  }
0x9: {  	[sflag:s30] =	ssyncpa.u1 $0x0;
	s7 =	sadd.s32 $0x2, s6;
	s8 =	sadd.s32 $0x30, s31  }
.LBB2_1:
0xa: {  	p0 =	sgt.u32 s10, s6  }
0xb: {  	s13 =	sxor.u32 @!p0 $0xFFFFFFFF, s9;
	s14 =	sshrl.u32 @!p0 s11, $0x3  }
0xc: {  	s15 =	sand.u32 @!p0 $0x7, s11;
	s13 =	sand.u32 @!p0 $0x10, s13;
	s14 =	sadd.s32 @!p0 s3, s14  }
0xd: {  	[tilespmem:s13], [sflag:$0x2] =	stream.linear.gather @!p0 [hbm4b:s14+s15], $0x10, $0x38;
	[tilespmem:$0x40] =	vst v63  }
0xe: {  	p0 =	seq.s32 s9, $0x0  }
0xf: {  	p1 =	sge.u32 @!p0 s10, s7  }
0x10: {  	p0 =	por p1, p0  }
0x11: {  	s13 =	simm.s32 @!p0 $0x2  }
0x12: {  	_ =	swait.ge @!p0 [sflag:s13], $0x10  }
0x13: {  	[sflag:s13] =	ssyncset.done @!p0 $0x0  }
0x14: {  	[sflag:s13] =	ssyncadd.s32 @!p0 $0xFFFFFFF0;
	s13 =	sand.u32 @!p0 $0x10, s9  }
0x15: {  	(ifvalue) =	ssetifvalue @!p0 $0x7FFFFFFF;
	v0 =	vld.msk @!p0 [tilespmem:s13+$0x0 ss:$0x1], $0xffff;
	_ =	sdelay $0x4  }
0x16: {  	vm0 =	vgt.s32 @!p0 v0, $0x0  }
0x17: {  	v0 =	vnsel @!p0 vm0, $0x0, v0  }
0x18: {  	v0 =	vmin.u32 @!p0 v0, $0x1387;
	_ =	sdelay $0x3  }
0x19: {  	s14 =	simm.s32 @!p0 $0x0;
	s13 =	sor.u32 @!p0 $0x20, s13;
	(ifvalue) =	ssetifvalue @!p0 $0x7FFFFFFF;
	vm0 =	vmmov @!p0 $0xffff  }
0x1a: {  	[tilespmem:s13], [sflag:$0x1] =	stream.indirect_vreg.gather @!p0 [hbm4b:s2+s14], $0x1, v0, vm0, $0x4038;
	[tilespmem:$0x40] =	vst v63  }
0x1b: {  	s14 =	simm.s32 @!p0 $0x1  }
0x1c: {  	_ =	swait.ge @!p0 [sflag:s14], $0x10  }
0x1d: {  	s15 =	sshrl.u32 @!p0 s12, $0x3;
	[sflag:s14] =	ssyncset.done @!p0 $0x0  }
0x1e: {  	s12 =	sand.u32 @!p0 $0x7, s12;
	[sflag:s14] =	ssyncadd.s32 @!p0 $0xFFFFFFF0;
	s14 =	sadd.s32 @!p0 s4, s15  }
0x1f: {  	[hbm4b:s14+s12] =	stream.linear.scatter @!p0 [tilespmem:s13], [sflag:$0x3], $0x10, $0x38;
	[tilespmem:$0x40] =	vst v63  }
0x20: {  	s14 =	sadd.s32 $0x100, s11  }
0x21: {  	s9 =	sadd.s32 $0x10, s9;
	p1 =	sgt.s32 s14, $0x1387  }
0x22: {  	s14 =	smov.u32 @p1 s5;
	p1 =	sne.s32 s8, s9  }
.Ltmp0:
0x23: {  	p0 =	slt.u32 s10, $0x2;
	(pc) =	sbr.rel @p1 .LBB2_1-.Ltmp0, $4  }
0x24: {  	s13 =	simm.s32 @!p0 $0x3  }
0x25: {  	_ =	swait.ge @!p0 [sflag:s13], $0x10  }
0x26: {  	s12 =	smov.u32 s11;
	[sflag:s13] =	ssyncset.done @!p0 $0x0  }
0x27: {  	s10 =	sadd.s32 $0x1, s10;
	s11 =	smov.u32 s14;
	[sflag:s13] =	ssyncadd.s32 @!p0 $0xFFFFFFF0  }
0x28: {  	_ =	sfence.sel $0x180000  }
0x29: {  	s2 =	simm.s32 $0x2;
	[bflag:$0x0] =	sbarrier.arrive $0xFFFF  }
0x2a: {  	s30 =	simm.s32 $0x3;
	[sflag:s2] =	ssyncpa.u1 $0x1  }
0x2b: {  	s31 =	simm.s32 $0x1;
	[sflag:s30] =	ssyncpa.u1 $0x1  }
0x2c: {  	[sflag:s31] =	ssyncpa.u1 $0x1  }
0x2d: {  	p0 =	sne.s32 s1, $0x0;
	_ =	strace $0x90000047  }
0x2e: {  	s0 =	sadd.s32 @!p0 $0x100000, s0;
	[bflag:$0x2] =	sbarrier.arrive $0xFFFF  }
0x2f: {  	[sflag:s0] =	ssyncadd.tile.s32 @!p0 $0x1;
	_ =	shalt  }
.Lfunc_end2:
_tile_overlayer_lowered:
.L_overlay_start_2:
0x30: {  	(tag) =	ssettag $0x2  }
0x31: {  	s0 =	rddreg [dreg:$0x0];
	s2 =	stileid.u32  }
0x32: {  	s1 =	rddreg [dreg:$0x1];
	p0 =	sne.s32 s2, $0x0  }
0x33: {  	s3 =	rddreg [dreg:$0x2];
	[bflag:$0x3] =	sbarrier.arrive $0xFFFF;
	s2 =	simm.s32 @!p0 $0x1C01  }
0x34: {  	[timem:s3], [sflag:s2] =	dma.local @!p0 [hbm:s0], s1  }
0x35: {  	s0 =	simm.s32 @!p0 $0x1  }
0x36: {  	_ =	swait.ge @!p0 [sflag:s0], s1  }
0x37: {  	s1 =	ssub.s32 @!p0 $0x0, s1;
	[sflag:s0] =	ssyncset.done @!p0 $0x0  }
0x38: {  	[sflag:s0] =	ssyncadd.s32 @!p0 s1  }
0x39: {  	[bflag:$0x3] =	sbarrier.arrive $0xFFFF  }
0x3a: {  	_ =	shalt  }

// kernel: gather_offload_async_start
scs
__scs_entry_jumppad:
0x0: {  	(pc) =	sbr.rel $0x88, $3  }
0x1: {  	(tag) =	ssettag $0x0;
	lr =	simm.s32 $0x1  }
0x2: {  	[smem:$0x3F9F] =	sst lr;
	_ =	strace $0xD0000000  }
0x3: {  	_ = 	snop  }
0x4: {  	_ = 	snop  }
0x5: {  	_ = 	snop  }
0x6: {  	_ = 	snop  }
0x7: {  	_ = 	snop  }
__scs_overlays_trampoline_lowered:
0x8: {  	[smem:$0x3FAE] =	sst s0  }
0x9: {  	[smem:$0x3FAF] =	sst s1  }
0xa: {  	[smem:$0x3FB0] =	sst s2  }
0xb: {  	[smem:$0x3FB1] =	sst s3  }
0xc: {  	[smem:$0x3FB2] =	sst s4  }
0xd: {  	[smem:$0x3FB3] =	sst s5  }
0xe: {  	[smem:$0x3FB4] =	sst s6  }
0xf: {  	[smem:$0x3FB5] =	sst s7  }
0x10: {  	[smem:$0x3FB6] =	sst s8  }
0x11: {  	[smem:$0x3FB7] =	sst s9;
	s0 =	simm.s32 @!p0 $0x0  }
0x12: {  	s1 =	sld [smem:$0x3F9D];
	s0 =	simm.s32 @p0 $0x1  }
0x13: {  	[smem:$0x3FB8] =	sst s0;
	s0 =	simm.s32 @!p1 $0x0  }
0x14: {  	s2 =	sld [smem:$0x3F9C];
	s0 =	simm.s32 @p1 $0x1  }
0x15: {  	[smem:$0x3FB9] =	sst s0;
	s0 =	simm.s32 @!p2 $0x0  }
0x16: {  	s3 =	sld [smem:$0x3FDB];
	s0 =	simm.s32 @p2 $0x1  }
0x17: {  	s4 =	simm.s32 $0x1BF5;
	[smem:$0x3FBB] =	sst s0  }
0x18: {  	s0 =	sld [smem:$0x3F9E];
	_ =	swait.ge [sflag:s4], $0x0  }
0x19: {  	s7 =	sld [smem:$0x3F9F]  }
0x1a: {  	s8 =	sadd.s32 $0xFFFFE003, lr  }
0x1b: {  	s9 =	sadd.s32 $0xFFFFFEF7, lr;
	s5 =	simm.s32 $0xFFFFFFFF;
	p2 =	slt.u32 s8, $0xFFFFF086  }
0x1c: {  	p1 =	slt.u32 s9, $0xF7A;
	s5 =	simm.s32 @!p2 $0x0  }
0x1d: {  	s5 =	simm.s32 @p1 $0x1;
	p0 =	seq.s32 s7, s2  }
0x1e: {  	s7 =	smul.u32 @!p0 $0xF7A, s2;
	p2 =	seq.s32 @!p0 s5, $0x0  }
0x1f: {  	s9 =	smul.u32 $0xF7A, s1;
	s8 =	simm.s32 @!p0 $0x1BF5;
	p2 =	por !p2, p0  }
0x20: {  	[sflag:s8] =	ssyncset.s32 @!p0 $0xFFFFF086;
	s6 =	sadd.s32 @!p0 s3, s7;
	s7 =	simm.s32 @!p0 $0x108  }
0x21: {  	s3 =	sadd.s32 s3, s9;
	s6 =	sadd.s32 @!p0 $0x88, s6;
	s7 =	simm.s32 @p2 $0x1082  }
0x22: {  	[simem:s7], [sflag:s8] =	dma.local @!p0 [hbm:s6], $0xF7A  }
0x23: {  	s9 =	sor.u32 $0xD0000000, s2;
	s6 =	simm.s32 $0x108;
	_ =	swait.ge @!p0 [sflag:s8], $0x0  }
0x24: {  	s3 =	sadd.s32 $0x88, s3;
	s6 =	simm.s32 @!p1 $0x1082;
	[sflag:s4] =	ssyncset.s32 $0xFFFFF086  }
0x25: {  	[simem:s6], [sflag:s4] =	dma.local [hbm:s3], $0xF7A  }
0x26: {  	[smem:$0x3F9F] =	sst s1;
	(tag) =	ssettag s2;
	_ =	strace s9  }
0x27: {  	s1 =	sld [smem:$0x3FAF]  }
0x28: {  	s2 =	sld [smem:$0x3FB0]  }
0x29: {  	s4 =	sld [smem:$0x3FB2]  }
0x2a: {  	p0 =	seq.s32 s5, $0x0;
	s5 =	sld [smem:$0x3FB3]  }
0x2b: {  	s6 =	sld [smem:$0x3FB4]  }
0x2c: {  	s7 =	sld [smem:$0x3FB5]  }
0x2d: {  	s3 =	simm.s32 $0x108;
	s8 =	sld [smem:$0x3FB6]  }
0x2e: {  	s3 =	simm.s32 @!p0 $0x1082;
	s9 =	sld [smem:$0x3FB7]  }
0x2f: {  	lr =	sadd.s32 s0, s3;
	s0 =	sld [smem:$0x3FAE]  }
0x30: {  	s3 =	sld [smem:$0x3FB1]  }
0x31: {  	[smem:$0x3FBA] =	sst s10  }
0x32: {  	s10 =	sld [smem:$0x3FB8];
	_ =	sdelay $0x3  }
0x33: {  	p0 =	seq.s32 s10, $0x1;
	s10 =	sld [smem:$0x3FBA];
	_ =	sdelay $0x3  }
0x34: {  	[smem:$0x3FBA] =	sst s10  }
0x35: {  	s10 =	sld [smem:$0x3FB9];
	_ =	sdelay $0x3  }
0x36: {  	p1 =	seq.s32 s10, $0x1;
	s10 =	sld [smem:$0x3FBA];
	_ =	sdelay $0x3  }
0x37: {  	[smem:$0x3FBA] =	sst s10  }
0x38: {  	s10 =	sld [smem:$0x3FBB]  }
0x39: {  	_ = 	snop;
	(pc) =	sbr.ind lr, $3  }
0x3a: {  	_ = 	snop  }
0x3b: {  	_ = 	snop  }
0x3c: {  	p2 =	seq.s32 s10, $0x1;
	s10 =	sld [smem:$0x3FBA]  }
0x3d: {  	_ =	shalt  }
0x3e: {  	_ =	shalt  }
0x3f: {  	_ =	shalt  }
0x40: {  	_ =	shalt  }
0x41: {  	_ =	shalt  }
0x42: {  	_ =	shalt  }
0x43: {  	_ =	shalt  }
0x44: {  	_ =	shalt  }
0x45: {  	_ =	shalt  }
0x46: {  	_ =	shalt  }
0x47: {  	_ =	shalt  }
0x48: {  	_ =	shalt  }
0x49: {  	_ =	shalt  }
0x4a: {  	_ =	shalt  }
0x4b: {  	_ =	shalt  }
0x4c: {  	_ =	shalt  }
0x4d: {  	_ =	shalt  }
0x4e: {  	_ =	shalt  }
0x4f: {  	_ =	shalt  }
0x50: {  	_ =	shalt  }
0x51: {  	_ =	shalt  }
0x52: {  	_ =	shalt  }
0x53: {  	_ =	shalt  }
0x54: {  	_ =	shalt  }
0x55: {  	_ =	shalt  }
0x56: {  	_ =	shalt  }
0x57: {  	_ =	shalt  }
0x58: {  	_ =	shalt  }
0x59: {  	_ =	shalt  }
0x5a: {  	_ =	shalt  }
0x5b: {  	_ =	shalt  }
0x5c: {  	_ =	shalt  }
0x5d: {  	_ =	shalt  }
0x5e: {  	_ =	shalt  }
0x5f: {  	_ =	shalt  }
0x60: {  	_ =	shalt  }
0x61: {  	_ =	shalt  }
0x62: {  	_ =	shalt  }
0x63: {  	_ =	shalt  }
0x64: {  	_ =	shalt  }
0x65: {  	_ =	shalt  }
0x66: {  	_ =	shalt  }
0x67: {  	_ =	shalt  }
0x68: {  	_ =	shalt  }
0x69: {  	_ =	shalt  }
0x6a: {  	_ =	shalt  }
0x6b: {  	_ =	shalt  }
0x6c: {  	_ =	shalt  }
0x6d: {  	_ =	shalt  }
0x6e: {  	_ =	shalt  }
0x6f: {  	_ =	shalt  }
0x70: {  	_ =	shalt  }
0x71: {  	_ =	shalt  }
0x72: {  	_ =	shalt  }
0x73: {  	_ =	shalt  }
0x74: {  	_ =	shalt  }
0x75: {  	_ =	shalt  }
0x76: {  	_ =	shalt  }
0x77: {  	_ =	shalt  }
0x78: {  	_ =	shalt  }
0x79: {  	_ =	shalt  }
0x7a: {  	_ =	shalt  }
0x7b: {  	_ =	shalt  }
0x7c: {  	_ =	shalt  }
0x7d: {  	_ =	shalt  }
0x7e: {  	_ =	shalt  }
0x7f: {  	_ =	shalt  }
0x80: {  	_ =	shalt  }
0x81: {  	_ =	shalt  }
0x82: {  	_ =	shalt  }
0x83: {  	_ =	shalt  }
0x84: {  	_ =	shalt  }
0x85: {  	_ =	shalt  }
0x86: {  	_ =	shalt  }
0x87: {  	_ =	shalt  }
.Lfunc_end0:
.L_simem_size_0:
called_computation_lowered:
.L_overlay_start_0:
0x88: {  	s0 =	sld [smem:$0x3FD9]  }
0x89: {  	s1 =	sld [smem:$0x3FFE];
	_ =	sdelay $0x3  }
0x8a: {  	s0 =	sadd.s32 s1, s0  }
0x8b: {  	[smem:$0x3FC6] =	sst s0  }
0x8c: {  	_ = 	snop  }
0x8d: {  	s0 =	sld [smem:$0x3FD0];
	(tm) =	ssettm $0x1  }
0x8e: {  	s16 =	sld [smem:$0x3FFB];
	_ =	sdelay $0x3  }
0x8f: {  	_ =	strace s16  }
0x90: {  	s1 =	sld [smem:$0x3FFC];
	_ =	sdelay $0x3  }
0x91: {  	_ =	strace s1  }
0x92: {  	s1 =	sld [smem:$0x3FFD];
	_ =	sdelay $0x3  }
0x93: {  	_ =	strace s1  }
0x94: {  	_ =	strace $0x8FFFFFFF  }
0x95: {  	s17 =	sld [smem:$0x3FDB];
	_ =	sdelay $0x1  }
0x96: {  	s2 =	simm.s32 $_scs_section_size  }
0x97: {  	s3 =	simm.s32 $_size__tile_overlayer_lowered;
	s4 =	simm.s32 $_tile_overlayer_lowered  }
0x98: {  	s20 =	simm.s32 $0x1BFF;
	s19 =	sshll.u32 s4, $0x1;
	s1 =	sadd.s32 s2, s17  }
0x99: {  	s5 =	simm.s32 $0x0;
	s18 =	sshll.u32 s3, $0x1;
	s3 =	sadd.s32 s19, s1  }
0x9a: {  	[timem:s5], [sflag:s20] =	dma.local [hbm:s3], s18  }
0x9b: {  	_ =	swait.ge [sflag:s20], s18  }
0x9c: {  	s2 =	ssub.s32 $0x0, s18;
	[sflag:s20] =	ssyncset.done $0x0  }
0x9d: {  	[sflag:s20] =	ssyncadd.s32 s2;
	_ =	sdelay $0x1  }
0x9e: {  	s21 =	simm.s32 $0x1B8B  }
0x9f: {  	_ =	swait.ge [sflag:s21], $0x1  }
0xa0: {  	[sflag:s21] =	ssyncset.done $0x0  }
0xa1: {  	s23 =	simm.s32 $0x1B8E;
	s22 =	sld [smem:$0x3FFE];
	[sflag:s21] =	ssyncadd.s32 $0xFFFFFFFF  }
0xa2: {  	s24 =	simm.s32 $execute0_lowered;
	[smem:$0x3FD2] =	sst s23  }
0xa3: {  	s3 =	sshll.u32 s24, $0x1;
	_ =	strace $0x80000049;
	[dreg:$0x1] =	wrdreg $0xFFFFFFFF  }
0xa4: {  	s25 =	simm.s32 $_size_execute0_lowered;
	s1 =	sadd.s32 s1, s3;
	[dreg:$0x0] =	wrdreg $0x0  }
0xa5: {  	s3 =	sshll.u32 s25, $0x1;
	[dreg:$0x2] =	wrdreg s1  }
0xa6: {  	[dreg:$0x3] =	wrdreg s3  }
0xa7: {  	[dreg:$0x4] =	wrdreg $0xC0  }
0xa8: {  	_ =	task [dreg:s5], $0x5FFFF  }
0xa9: {  	[dreg:$0x1] =	wrdreg $0xFFFFFFFF  }
0xaa: {  	[dreg:$0x0] =	wrdreg $0x60  }
0xab: {  	[dreg:$0x2] =	wrdreg s22  }
0xac: {  	[dreg:$0x3] =	wrdreg s0  }
0xad: {  	[dreg:$0x4] =	wrdreg $0x9  }
0xae: {  	_ =	task.clear_ibuf [dreg:s5], $0x5FFFF;
	_ =	strace $0x90000049  }
0xaf: {  	s26 =	simm.s32 $0x9;
	_ =	strace $0x8000004B  }
0xb0: {  	_ =	swait.ge [sflag:s26], $0x1  }
0xb1: {  	[sflag:s26] =	ssyncadd.s32 $0xFFFFFFFF  }
0xb2: {  	_ =	strace $0x9000004B  }
0xb3: {  	_ =	sfence  }
0xb4: {  	s28 =	sld [smem:$0x0];
	_ =	sdelay $0x1  }
0xb5: {  	s29 =	srdreg.scid  }
0xb6: {  	s30 =	sshll.u32 s29, $0xD;
	s31 =	sshrl.u32 s29, $0x2  }
0xb7: {  	s2 =	sand.u32 $0x4000, s30;
	s1 =	sand.u32 $0x1, s29;
	s0 =	sadd.s32 s31, s28  }
0xb8: {  	s1 =	sor.u32 s2, s1;
	s0 =	sshll.u32 s0, $0x11  }
0xb9: {  	s0 =	sor.u32 s0, s1  }
0xba: {  	s0 =	sadd.s32 $0x8F2B, s0  }
0xbb: {  	[sflag:s0] =	ssyncadd.remote.s32 $0x1  }
0xbc: {  	_ =	sfence.sel $0xFFFF  }
0xbd: {  	[dreg:$0x0] =	wrdreg $0xFFFFFFFF;
	(pc) =	sbr.abs _section_cstart, $3  }
0xbe: {  	[dreg:$0x1] =	wrdreg $0xFFFFFFFF  }
0xbf: {  	_ =	task.clear_ibuf [dreg:s5], $0x2FFFF;
	_ =	strace $0x9FFFFFFF  }
0xc0: {  	(tm) =	ssettm $0x7FFFFFFF  }
0xc1: {  	_ =	shalt  }
tec
execute0_lowered:
.L_overlay_start_1:
0x0: {  	(tag) =	ssettag $0x1  }
0x1: {  	s0 =	stileid.u32  }
0x2: {  	s1 =	smin.u32 s0, $0x9  }
0x3: {  	s1 =	sadd.s32 s0, s1  }
0x4: {  	s2 =	simm.s32 $0x190;
	p0 =	slt.u32 s0, $0x9;
	s1 =	smul.u32 $0xC8, s1  }
0x5: {  	s2 =	simm.s32 @!p0 $0xC8  }
0x6: {  	s2 =	sadd.s32 s2, s1  }
0x7: {  	s3 =	smin.u32 s2, $0x1388  }
0x8: {  	s7 =	ssub.s32 s3, s1  }
0x9: {  	p0 =	sgt.s32 s7, $0x0  }
0xa: {  	s7 =	simm.s32 @!p0 $0x0  }
0xb: {  	s31 =	sand.u32 $0xFFF8, s7  }
0xc: {  	s2 =	sshrl.u32 s31, $0x3  }
0xd: {  	s9 =	rddreg [dreg:$0x0];
	s2 =	smul.u32 $0x147B, s2  }
0xe: {  	s4 =	rddreg [dreg:$0x1];
	s6 =	simm.s32 $0x1  }
0xf: {  	s11 =	simm.s32 $0x3;
	s13 =	simm.s32 $0x0;
	s8 =	sshrl.u32 s2, $0x11  }
0x10: {  	s12 =	simm.s32 $0x0;
	s5 =	sadd.s32 $0x400, s9;
	s10 =	smul.u32 $0xC8, s8  }
.Ltmp0:
0x11: {  	s9 =	sadd.s32 $0x13E00, s9;
	s2 =	rddreg [dreg:$0x2];
	(pc) =	sbr.rel .LBB2_1-.Ltmp0, $4  }
0x12: {  	_ =	strace $0x8000004A;
	p0 =	sne.s32 s7, s10;
	s10 =	simm.s32 $0x1  }
0x13: {  	[sflag:s6] =	ssyncpa.u1 $0x0;
	s7 =	simm.s32 $0x2;
	s10 =	simm.s32 @!p0 $0x0  }
0x14: {  	[sflag:s7] =	ssyncpa.u1 $0x0;
	p0 =	por $0x0, $0x0;
	s8 =	sadd.s32 s8, s10  }
0x15: {  	vm0 =	vmmov $0xff;
	vm1 =	vcmask $0x3F20;
	[sflag:s11] =	ssyncpa.u1 $0x0;
	s11 =	smov.u32 s1;
	s10 =	sadd.s32 $0x1, s8  }
.LBB2_6:
0x16: {  	[hbm:s17] =	stream.linear.scatter [tilespmem:s14], [sflag:$0x3], $0x400, $0x38;
	[tilespmem:$0xC990] =	vst v63  }
.LBB2_7:
0x17: {  	s13 =	sadd.s32 $0xC8, s11  }
0x18: {  	s15 =	smov.u32 s1;
	p2 =	slt.s32 s13, s3  }
0x19: {  	s15 =	smov.u32 @p2 s13;
	p2 =	sne.s32 s12, s10  }
.Ltmp1:
0x1a: {  	p1 =	slt.u32 s12, $0x2;
	(pc) =	sbr.rel @!p2 .LBB2_8-.Ltmp1, $4  }
0x1b: {  	s14 =	simm.s32 @!p1 $0x3  }
0x1c: {  	s16 =	sadd.s32 $0x1, s12;
	_ =	swait.ge @!p1 [sflag:s14], $0x6400  }
0x1d: {  	p0 =	por !p0, !p0;
	s13 =	smov.u32 s11;
	[sflag:s14] =	ssyncset.done @!p1 $0x0  }
0x1e: {  	s12 =	smov.u32 s16;
	s11 =	smov.u32 s15;
	[sflag:s14] =	ssyncadd.s32 @!p1 $0xFFFF9C00  }
.LBB2_1:
0x1f: {  	p1 =	sge.u32 s12, s8  }
0x20: {  	s14 =	sxor.u32 @!p1 $0xFFFFFFFF, s12  }
0x21: {  	s14 =	sand.u32 @!p1 $0x1, s14  }
0x22: {  	s14 =	smul.u32 @!p1 $0x320, s14  }
0x23: {  	s31 =	sadd.s32 $0xFFFFFFFF, s12;
	s15 =	sshrl.u32 @!p1 s11, $0x3  }
0x24: {  	s16 =	sand.u32 @!p1 $0x7, s11;
	s15 =	sadd.s32 @!p1 s4, s15;
	s14 =	sshrl.u32 @!p1 s14, $0x2  }
0x25: {  	[tilespmem:s14], [sflag:$0x2] =	stream.linear.gather @!p1 [hbm4b:s15+s16], $0xC8, $0x38;
	[tilespmem:$0xC990] =	vst v63  }
0x26: {  	p1 =	sge.u32 s31, s8  }
.Ltmp2:
0x27: {  	_ = 	snop;
	(pc) =	sbr.rel @p1 .LBB2_7-.Ltmp2, $1  }
0x28: {  	_ =	sdelay $0x3  }
0x29: {  	s14 =	simm.s32 $0x1  }
0x2a: {  	s14 =	simm.s32 @!p0 $0x0  }
0x2b: {  	s15 =	smul.u32 $0x320, s14  }
0x2c: {  	_ =	swait.ge [sflag:s7], $0xC8  }
0x2d: {  	[sflag:s7] =	ssyncset.done $0x0;
	s16 =	sshrl.u32 s15, $0x2  }
0x2e: {  	[sflag:s7] =	ssyncadd.s32 $0xFFFFFF38;
	s15 =	sadd.s32 $0x0, s16  }
0x2f: {  	v0 =	vld.msk [tilespmem:s15+$0x0 ss:$0x1], $0xffff;
	_ =	sdelay $0x4  }
0x30: {  	vm2 =	vgt.s32 v0, $0x0  }
0x31: {  	v0 =	vnsel vm2, $0x0, v0  }
0x32: {  	v0 =	vmin.u32 v0, $0x1387  }
0x33: {  	v0 =	vshll.u32 v0, $0x4  }
0x34: {  	s14 =	smul.u32 $0x19000, s14  }
0x35: {  	s31 =	sand.u32 $0x1, s12  }
0x36: {  	s17 =	smul.u32 $0x320, s31;
	s14 =	sshrl.u32 s14, $0x2  }
0x37: {  	s19 =	smul.u32 $0x19000, s31;
	s14 =	sor.u32 $0x190, s14  }
0x38: {  	[tilespmem:s14], [sflag:$0x1] =	stream.indirect_vreg.gather [hbm:s5], $0x80, v0, vm0, $0x38;
	[tilespmem:$0xC990] =	vst v63  }
0x39: {  	s18 =	sshrl.u32 s17, $0x2;
	s20 =	sadd.s32 $0x10, s16;
	s15 =	sadd.s32 $0x400, s14  }
0x3a: {  	[tilespmem:s15], [sflag:$0x1] =	stream.indirect_vreg.gather [hbm:s5], $0x80, v0, vm1, $0x38;
	[tilespmem:$0xC990] =	vst v63  }
0x3b: {  	s17 =	sshrl.u32 s19, $0x2;
	s19 =	smov.u32 s14;
	v0 =	vld.msk [tilespmem:s20+$0x0 ss:$0x1], $0xffff;
	s20 =	simm.s32 $0x80  }
.LBB2_3:
0x3c: {  	p1 =	sne.s32 s20, $0x2C0;
	_ =	sdelay $0x4  }
0x3d: {  	vm2 =	vgt.s32 v0, $0x0  }
0x3e: {  	v0 =	vnsel vm2, $0x0, v0  }
0x3f: {  	v0 =	vmin.u32 v0, $0x1387  }
0x40: {  	v0 =	vshll.u32 v0, $0x4;
	_ =	sdelay $0x3  }
.Ltmp3:
0x41: {  	s21 =	sshra.s32 s20, $0x2;
	s19 =	sadd.s32 $0x800, s19;
	(pc) =	sbr.rel @p1 .LBB2_3-.Ltmp3, $4  }
0x42: {  	[tilespmem:s19], [sflag:$0x1] =	stream.indirect_vreg.gather [hbm:s5], $0x80, v0, vm0, $0x38;
	[tilespmem:$0xC990] =	vst v63  }
0x43: {  	s21 =	sadd.s32 s21, s16;
	s22 =	sadd.s32 $0x400, s19  }
0x44: {  	[tilespmem:s22], [sflag:$0x1] =	stream.indirect_vreg.gather [hbm:s5], $0x80, v0, vm1, $0x38;
	[tilespmem:$0xC990] =	vst v63  }
0x45: {  	s20 =	sadd.s32 $0x40, s20;
	v0 =	vld.msk [tilespmem:s21+$0x0 ss:$0x1], $0xffff  }
0x46: {  	_ =	sdelay $0x3  }
0x47: {  	vm2 =	vgt.s32 v0, $0x0  }
0x48: {  	v0 =	vnsel vm2, $0x0, v0  }
0x49: {  	v0 =	vmin.u32 v0, $0x1387  }
0x4a: {  	v0 =	vshll.u32 v0, $0x4;
	_ =	sdelay $0x3  }
0x4b: {  	s16 =	sadd.s32 $0x800, s19  }
0x4c: {  	[tilespmem:s16], [sflag:$0x1] =	stream.indirect_vreg.gather [hbm:s5], $0x80, v0, vm0, $0x38;
	[tilespmem:$0xC990] =	vst v63  }
0x4d: {  	s16 =	sadd.s32 $0x400, s16  }
0x4e: {  	[tilespmem:s16], [sflag:$0x1] =	stream.indirect_vreg.gather [hbm:s5], $0x80, v0, vm1, $0x38;
	[tilespmem:$0xC990] =	vst v63  }
0x4f: {  	v0 =	vld.msk [tilespmem:s18+$0xC0 ss:$0x1], $0xff;
	_ =	sdelay $0x4  }
0x50: {  	vm2 =	vgt.s32 v0, $0x0  }
0x51: {  	v0 =	vnsel vm2, $0x0, v0  }
0x52: {  	v0 =	vmin.u32 v0, $0x1387  }
0x53: {  	v0 =	vshll.u32 v0, $0x4;
	_ =	sdelay $0x3  }
0x54: {  	s31 =	sadd.s32 $0x6190, s17  }
0x55: {  	[tilespmem:s31], [sflag:$0x1] =	stream.indirect_vreg.gather [hbm:s5], $0x80, v0, vm0, $0x38;
	[tilespmem:$0xC990] =	vst v63  }
0x56: {  	s13 =	sshll.u32 s13, $0x4;
	_ =	swait.ge [sflag:s6], $0x6400  }
0x57: {  	s13 =	sadd.s32 s13, s9;
	[sflag:s6] =	ssyncset.done $0x0  }
0x58: {  	s17 =	sadd.s32 $0x0, s13;
	s16 =	simm.s32 $0x80;
	[sflag:s6] =	ssyncadd.s32 $0xFFFF9C00  }
.LBB2_5:
0x59: {  	[hbm:s17] =	stream.linear.scatter [tilespmem:s14], [sflag:$0x3], $0x400, $0x38;
	[tilespmem:$0xC990] =	vst v63  }
0x5a: {  	s17 =	smov.u32 s16;
	s14 =	smov.u32 s15;
	p1 =	sne.s32 s16, $0xC00  }
.Ltmp4:
0x5b: {  	s16 =	sadd.s32 $0x80, s16;
	(pc) =	sbr.rel @p1 .LBB2_5-.Ltmp4, $2  }
0x5c: {  	_ =	sdelay $0x2  }
0x5d: {  	s15 =	sadd.s32 $0x400, s15;
	s17 =	sadd.s32 s17, s13  }
.Ltmp5:
0x5e: {  	_ = 	snop;
	(pc) =	sbr.rel .LBB2_6-.Ltmp5, $1  }
0x5f: {  	_ =	sdelay $0x3  }
.LBB2_8:
0x60: {  	_ =	sfence.sel $0x180000  }
0x61: {  	s1 =	simm.s32 $0x2;
	[bflag:$0x0] =	sbarrier.arrive $0xFFFF  }
0x62: {  	s30 =	simm.s32 $0x3;
	[sflag:s1] =	ssyncpa.u1 $0x1  }
0x63: {  	s31 =	simm.s32 $0x1;
	[sflag:s30] =	ssyncpa.u1 $0x1  }
0x64: {  	[sflag:s31] =	ssyncpa.u1 $0x1  }
0x65: {  	p0 =	sne.s32 s0, $0x0;
	_ =	strace $0x9000004A  }
0x66: {  	s0 =	sadd.s32 @!p0 $0x100000, s2;
	[bflag:$0x2] =	sbarrier.arrive $0xFFFF  }
0x67: {  	[sflag:s0] =	ssyncadd.tile.s32 @!p0 $0x1;
	_ =	shalt  }
.Lfunc_end2:
_tile_overlayer_lowered:
.L_overlay_start_2:
0x68: {  	(tag) =	ssettag $0x2  }
0x69: {  	s0 =	rddreg [dreg:$0x0];
	s2 =	stileid.u32  }
0x6a: {  	s1 =	rddreg [dreg:$0x1];
	p0 =	sne.s32 s2, $0x0  }
0x6b: {  	s3 =	rddreg [dreg:$0x2];
	[bflag:$0x3] =	sbarrier.arrive $0xFFFF;
	s2 =	simm.s32 @!p0 $0x1C01  }
0x6c: {  	[timem:s3], [sflag:s2] =	dma.local @!p0 [hbm:s0], s1  }
0x6d: {  	s0 =	simm.s32 @!p0 $0x1  }
0x6e: {  	_ =	swait.ge @!p0 [sflag:s0], s1  }
0x6f: {  	s1 =	ssub.s32 @!p0 $0x0, s1;
	[sflag:s0] =	ssyncset.done @!p0 $0x0  }
0x70: {  	[sflag:s0] =	ssyncadd.s32 @!p0 s1  }
0x71: {  	[bflag:$0x3] =	sbarrier.arrive $0xFFFF  }
0x72: {  	_ =	shalt  }

</sc_bundles>
